<compile_context>
chip_gen: v7x
topology: tpu7x:2x2x1
jax: 0.10.2.dev20260603
libtpu: 0.0.44.dev20260713+nightly
codegen_flags: <defaults>
</compile_context>

<pallas_src>
import functools

import jax
import jax.numpy as jnp
from jax import lax
from jax.experimental import pallas as pl
from jax.experimental.pallas import tpu as pltpu
from jax.experimental.pallas import tpu_sc as plsc

N = 32768
D_NODE = 128
D_HID = 1024
K = 64


def _rank_body(nodes_ref, hid_ref, w_ref, b_ref, sel_ref):
    nodes64 = nodes_ref[...]
    hid = hid_ref[...]
    W = w_ref[...]
    b = b_ref[...]

    f32 = jnp.float32
    h = lax.dot_general(hid, W, (((1,), (1,)), ((), ())),
                        preferred_element_type=f32) + b
    s_row = lax.dot_general(h, nodes64, (((1,), (1,)), ((), ())),
                            preferred_element_type=f32)

    I = lax.broadcasted_iota(jnp.int32, (K, K), 0)
    J = lax.broadcasted_iota(jnp.int32, (K, K), 1)

    s_col = jnp.transpose(s_row, (1, 0))
    S1 = jnp.broadcast_to(s_col, (K, K))
    S2 = jnp.broadcast_to(s_row, (K, K))

    C = ((S1 < S2) | ((S1 == S2) & (I < J))).astype(f32)
    rank_row = jnp.sum(C, axis=0, keepdims=True)
    rank_mat = jnp.broadcast_to(rank_row, (K, K)).astype(jnp.int32)
    P = (rank_mat == I).astype(f32)
    ival = lax.broadcasted_iota(jnp.int32, (1, K), 1).astype(f32)
    sel = lax.dot_general(ival, P, (((1,), (1,)), ((), ())),
                          preferred_element_type=f32,
                          precision=lax.Precision.HIGHEST)
    sel_ref[...] = sel.astype(jnp.int32)


_sc_mesh = plsc.ScalarSubcoreMesh(axis_name="c", num_cores=1)


@functools.partial(
    pl.kernel,
    mesh=_sc_mesh,
    out_type=jax.ShapeDtypeStruct((K, D_NODE), jnp.float32),
    scratch_types=[
        pltpu.SMEM((K,), jnp.int32),
        pltpu.SemaphoreType.DMA,
    ],
)
def _sc_gather(nodes_hbm, idx_hbm, out_hbm, idx_s, sem):
    pltpu.sync_copy(idx_hbm.at[0], idx_s)

    def issue(i, carry):
        pltpu.async_copy(nodes_hbm.at[idx_s[i]], out_hbm.at[i], sem)
        return carry

    lax.fori_loop(0, K, issue, 0)
    pltpu.make_async_copy(nodes_hbm.at[pl.ds(0, K)], out_hbm, sem).wait()


def kernel(nodes, hidden_state, W, b):
    sel = pl.pallas_call(
        _rank_body,
        grid=(1,),
        in_specs=[
            pl.BlockSpec((K, D_NODE), lambda i: (0, 0)),
            pl.BlockSpec((1, D_HID), lambda i: (0, 0)),
            pl.BlockSpec((D_NODE, D_HID), lambda i: (0, 0)),
            pl.BlockSpec((1, D_NODE), lambda i: (0, 0)),
        ],
        out_specs=pl.BlockSpec((1, K), lambda i: (0, 0)),
        out_shape=jax.ShapeDtypeStruct((1, K), jnp.int32),
    )(nodes, hidden_state, W, b.reshape(1, D_NODE))
    out = _sc_gather(nodes, sel)
    return out.reshape(1, K * D_NODE)

# --- scband reference (transcript-rebuilt; emitter-appended) ---
"""Pipeline reference for scband-dot-attn-chose-importent-node-53575422050694 (READ-ONLY COPY).

The authoritative reference and input builder live on the scoring server;
editing this copy changes nothing except your own understanding.
"""

import jax, jax.numpy as jnp
import numpy as np

N = 32768
D_NODE = 128
D_HID = 1024
K = 64

def setup_inputs(seed: int = 0) -> dict:
    key = jax.random.key(seed)
    k1, k2, k3, k4 = jax.random.split(key, 4)
    nodes = jax.random.normal(k1, (N, D_NODE), dtype=jnp.float32)
    hidden_state = jax.random.normal(k2, (1, D_HID), dtype=jnp.float32)
    # nn.Linear(bert_hidden_size, NODE_FEATURE_SIZE): weight [out, in], bias [out]
    bound = 1.0 / np.sqrt(D_HID)
    W = jax.random.uniform(k3, (D_NODE, D_HID), dtype=jnp.float32, minval=-bound, maxval=bound)
    b = jax.random.uniform(k4, (D_NODE,), dtype=jnp.float32, minval=-bound, maxval=bound)
    return {"nodes": nodes, "hidden_state": hidden_state, "W": W, "b": b}

def reference(nodes, hidden_state, W, b):
    # hidden_state = self.hidden_state_to_node(hidden_state)
    h = hidden_state @ W.T + b  # [1, D_NODE]
    # score = nodes @ h.T, flattened
    score = (nodes @ h.T).reshape(-1)  # [N]
    # sort_index = argsort(score); iterate in ascending-score order, keep indices < K.
    # Equivalent static-shape formulation: the selected node indices are exactly
    # 0..K-1 (since N >= K), ordered by their rank in the ascending score sort.
    ranks = jnp.argsort(jnp.argsort(score))  # rank of each node in ascending order
    sel_ranks = ranks[:K]                    # ranks of node indices 0..K-1
    order = jnp.argsort(sel_ranks)           # ascending-score visit order among them
    selected = jnp.arange(K)[order]          # node indices in visit order
    chose_nodes = jnp.take(nodes, selected, axis=0).reshape(1, K * D_NODE)
    # OUTPUT_SHAPE == K * D_NODE, so no zero-padding branch is taken
    return chose_nodes

if __name__ == "__main__":
    import jax
    _d = setup_inputs()
    print(jax.jit(kernel)(*tuple(_d.values())))

</pallas_src>

<mosaic_0001>
#map = affine_map<(d0) -> (0, 0)>
module attributes {stable_mosaic.version = 14 : i64} {
  func.func @_sc_gather(%arg0: i32, %arg1: memref<32768x128xf32, #tpu.memory_space<hbm>>, %arg2: memref<1x64xi32, #tpu.memory_space<hbm>>, %arg3: memref<64x128xf32, #tpu.memory_space<hbm>>, %arg4: memref<64xi32, #tpu.memory_space<smem>>, %arg5: memref<!tpu.dma_semaphore, #tpu.memory_space<semaphore_mem>>) attributes {dimension_semantics = [#tpu.dimension_semantics<core_parallel>], iteration_bounds = array<i64: 1>, scalar_prefetch = 0 : i64, scratch_operands = 2 : i64, tpu.core_type = #tpu.core_type<sc_scalar_subcore>, window_params = [{transform_indices = #map}, {transform_indices = #map}, {transform_indices = #map}]} {
    %run_scoped3A = arith.constant 0 : i32
    "tpu.region"() ({
      %run_scoped3A_7 = tpu.sem_alloc : memref<!tpu.dma_semaphore, #tpu.memory_space<semaphore_mem>>
      %dma_start3A = arith.constant 0 : i32
      %dma_start3A_8 = tpu.memref_slice %arg2[%run_scoped3A, %dma_start3A] : memref<1x64xi32, #tpu.memory_space<hbm>> -> memref<1x64xi32, #tpu.memory_space<hbm>>
      %dma_start3A_9 = tpu.memref_squeeze %dma_start3A_8 : memref<1x64xi32, #tpu.memory_space<hbm>> -> memref<64xi32, #tpu.memory_space<hbm>>
      tpu.enqueue_dma source(%dma_start3A_9 : memref<64xi32, #tpu.memory_space<hbm>>) target(%arg4 : memref<64xi32, #tpu.memory_space<smem>>) target_semaphore(%run_scoped3A_7 : memref<!tpu.dma_semaphore, #tpu.memory_space<semaphore_mem>>)
      %dma_wait3A_10 = arith.constant 0 : i32
      %dma_wait3A_11 = tpu.memref_slice %arg2[%run_scoped3A, %dma_wait3A_10] : memref<1x64xi32, #tpu.memory_space<hbm>> -> memref<1x64xi32, #tpu.memory_space<hbm>>
      %dma_wait3A_12 = tpu.memref_squeeze %dma_wait3A_11 : memref<1x64xi32, #tpu.memory_space<hbm>> -> memref<64xi32, #tpu.memory_space<hbm>>
      tpu.wait_dma2 semaphore(%run_scoped3A_7 : memref<!tpu.dma_semaphore, #tpu.memory_space<semaphore_mem>>) src(%dma_wait3A_12 : memref<64xi32, #tpu.memory_space<hbm>>) dst(%arg4 : memref<64xi32, #tpu.memory_space<smem>>)
      tpu.yield
    }) : () -> ()
    %scan3A = arith.constant 0 : i32
    %scan3A_0 = arith.constant 0 : i32
    %scan3A_1 = arith.constant 64 : i32
    %scan3A_2 = arith.addi %scan3A_0, %scan3A_1 : i32
    %scan3A_3 = arith.constant 1 : i32
    scf.for %scan3A_7 = %scan3A_0 to %scan3A_2 step %scan3A_3  : i32 {
      %get3A = arith.index_cast %scan3A_7 : i32 to index
      %get3A_8 = memref.load %arg4[%get3A] : memref<64xi32, #tpu.memory_space<smem>>
      %dma_start3A = arith.constant 0 : i32
      %dma_start3A_9 = tpu.memref_slice %arg3[%scan3A_7, %dma_start3A] : memref<64x128xf32, #tpu.memory_space<hbm>> -> memref<1x128xf32, #tpu.memory_space<hbm>>
      %dma_start3A_10 = tpu.memref_squeeze %dma_start3A_9 : memref<1x128xf32, #tpu.memory_space<hbm>> -> memref<128xf32, #tpu.memory_space<hbm>>
      %dma_start3A_11 = arith.constant 0 : i32
      %dma_start3A_12 = tpu.memref_slice %arg1[%get3A_8, %dma_start3A_11] : memref<32768x128xf32, #tpu.memory_space<hbm>> -> memref<1x128xf32, #tpu.memory_space<hbm>>
      %dma_start3A_13 = tpu.memref_squeeze %dma_start3A_12 : memref<1x128xf32, #tpu.memory_space<hbm>> -> memref<128xf32, #tpu.memory_space<hbm>>
      tpu.enqueue_dma source(%dma_start3A_13 : memref<128xf32, #tpu.memory_space<hbm>>) target(%dma_start3A_10 : memref<128xf32, #tpu.memory_space<hbm>>) target_semaphore(%arg5 : memref<!tpu.dma_semaphore, #tpu.memory_space<semaphore_mem>>)
    }
    %scan3A_4 = arith.constant 64 : i32
    %dma_wait3A = arith.constant 0 : i32
    %dma_wait3A_5 = arith.constant 0 : i32
    %dma_wait3A_6 = tpu.memref_slice %arg1[%dma_wait3A, %dma_wait3A_5] : memref<32768x128xf32, #tpu.memory_space<hbm>> -> memref<64x128xf32, #tpu.memory_space<hbm>>
    tpu.wait_dma2 semaphore(%arg5 : memref<!tpu.dma_semaphore, #tpu.memory_space<semaphore_mem>>) src(%dma_wait3A_6 : memref<64x128xf32, #tpu.memory_space<hbm>>) dst(%arg3 : memref<64x128xf32, #tpu.memory_space<hbm>>)
    return
  }
}

module attributes {stable_mosaic.version = 14 : i64} {
  func.func @_rank_body(%arg0: i32, %arg1: memref<64x128xf32, #tpu.memory_space<vmem>>, %arg2: memref<1x1024xf32, #tpu.memory_space<vmem>>, %arg3: memref<128x1024xf32, #tpu.memory_space<vmem>>, %arg4: memref<1x128xf32, #tpu.memory_space<vmem>>, %arg5: memref<1x64xi32, #tpu.memory_space<vmem>>) attributes {dimension_semantics = [#tpu.dimension_semantics<arbitrary>], iteration_bounds = array<i64: 1>, scalar_prefetch = 0 : i64, scratch_operands = 0 : i64, tpu.core_type = #tpu.core_type<tc>, window_params = [{transform_indices = @transform_0, window_bounds = array<i64: 64, 128>}, {pipeline_mode = #tpu.pipeline_mode<synchronous>, transform_indices = @transform_1, window_bounds = array<i64: 1, 1024>}, {pipeline_mode = #tpu.pipeline_mode<synchronous>, transform_indices = @transform_2, window_bounds = array<i64: 128, 1024>}, {pipeline_mode = #tpu.pipeline_mode<synchronous>, transform_indices = @transform_3, window_bounds = array<i64: 1, 128>}, {pipeline_mode = #tpu.pipeline_mode<synchronous>, transform_indices = @transform_4, window_bounds = array<i64: 1, 64>}]} {
    %get3A = arith.constant 0 : index
    %get3A_0 = arith.constant 0 : index
    %get3A_1 = vector.load %arg1[%get3A, %get3A_0] : memref<64x128xf32, #tpu.memory_space<vmem>>, vector<64x128xf32>
    %get3A_2 = arith.constant 0 : index
    %get3A_3 = arith.constant 0 : index
    %get3A_4 = vector.load %arg2[%get3A_2, %get3A_3] : memref<1x1024xf32, #tpu.memory_space<vmem>>, vector<1x1024xf32>
    %get3A_5 = arith.constant 0 : index
    %get3A_6 = arith.constant 0 : index
    %get3A_7 = vector.load %arg3[%get3A_5, %get3A_6] : memref<128x1024xf32, #tpu.memory_space<vmem>>, vector<128x1024xf32>
    %get3A_8 = arith.constant 0 : index
    %get3A_9 = arith.constant 0 : index
    %get3A_10 = vector.load %arg4[%get3A_8, %get3A_9] : memref<1x128xf32, #tpu.memory_space<vmem>>, vector<1x128xf32>
    %dot_general3A = arith.constant dense<0.000000e+00> : vector<1x128xf32>
    %dot_general3A_11 = tpu.matmul %get3A_4, %get3A_7, %dot_general3A {dimension_numbers = #tpu.dot_dimension_numbers<[1], [1], [0], [0], [0, 0, 1, 0], [], []>, transpose_lhs_hint = false} : vector<1x1024xf32>, vector<128x1024xf32>, vector<1x128xf32> -> vector<1x128xf32>
    %add3A = arith.addf %dot_general3A_11, %get3A_10 : vector<1x128xf32>
    %dot_general3A_12 = arith.constant dense<0.000000e+00> : vector<1x64xf32>
    %dot_general3A_13 = tpu.matmul %add3A, %get3A_1, %dot_general3A_12 {dimension_numbers = #tpu.dot_dimension_numbers<[1], [1], [0], [0], [0, 0, 1, 0], [], []>, transpose_lhs_hint = false} : vector<1x128xf32>, vector<64x128xf32>, vector<1x64xf32> -> vector<1x64xf32>
    %iota3A = tpu.iota {dimensions = array<i32: 0>} : vector<64x64xi32>
    %iota3A_14 = tpu.iota {dimensions = array<i32: 1>} : vector<64x64xi32>
    %transpose3A = tpu.transpose %dot_general3A_13, [1, 0] : vector<1x64xf32> -> vector<64x1xf32>
    %broadcast_in_dim3A = vector.shape_cast %transpose3A : vector<64x1xf32> to vector<64x1xf32>
    %broadcast_in_dim3A_15 = vector.broadcast %broadcast_in_dim3A : vector<64x1xf32> to vector<64x64xf32>
    %broadcast_in_dim3A_16 = vector.shape_cast %dot_general3A_13 : vector<1x64xf32> to vector<1x64xf32>
    %broadcast_in_dim3A_17 = vector.broadcast %broadcast_in_dim3A_16 : vector<1x64xf32> to vector<64x64xf32>
    %lt3A = arith.cmpf olt, %broadcast_in_dim3A_15, %broadcast_in_dim3A_17 : vector<64x64xf32>
    %eq3A = arith.cmpf oeq, %broadcast_in_dim3A_15, %broadcast_in_dim3A_17 : vector<64x64xf32>
    %lt3A_18 = arith.cmpi slt, %iota3A, %iota3A_14 : vector<64x64xi32>
    %and3A = arith.andi %eq3A, %lt3A_18 : vector<64x64xi1>
    %or3A = arith.ori %lt3A, %and3A : vector<64x64xi1>
    %convert_element_type3A = arith.extui %or3A : vector<64x64xi1> to vector<64x64xi32>
    %convert_element_type3A_19 = arith.sitofp %convert_element_type3A : vector<64x64xi32> to vector<64x64xf32>
    %reduce_sum3A = arith.constant dense<0.000000e+00> : vector<64xf32>
    %reduce_sum3A_20 = vector.multi_reduction <add>, %convert_element_type3A_19, %reduce_sum3A [0] : vector<64x64xf32> to vector<64xf32>
    %broadcast_in_dim3A_21 = vector.shape_cast %reduce_sum3A_20 : vector<64xf32> to vector<1x64xf32>
    %broadcast_in_dim3A_22 = vector.shape_cast %broadcast_in_dim3A_21 : vector<1x64xf32> to vector<1x64xf32>
    %broadcast_in_dim3A_23 = vector.broadcast %broadcast_in_dim3A_22 : vector<1x64xf32> to vector<64x64xf32>
    %convert_element_type3A_24 = arith.fptosi %broadcast_in_dim3A_23 : vector<64x64xf32> to vector<64x64xi32>
    %eq3A_25 = arith.cmpi eq, %convert_element_type3A_24, %iota3A : vector<64x64xi32>
    %convert_element_type3A_26 = arith.extui %eq3A_25 : vector<64x64xi1> to vector<64x64xi32>
    %convert_element_type3A_27 = arith.sitofp %convert_element_type3A_26 : vector<64x64xi32> to vector<64x64xf32>
    %iota3A_28 = tpu.iota {dimensions = array<i32: 1>} : vector<1x64xi32>
    %convert_element_type3A_29 = arith.sitofp %iota3A_28 : vector<1x64xi32> to vector<1x64xf32>
    %dot_general3A_30 = arith.constant dense<0.000000e+00> : vector<1x64xf32>
    %dot_general3A_31 = tpu.matmul %convert_element_type3A_29, %convert_element_type3A_27, %dot_general3A_30 {dimension_numbers = #tpu.dot_dimension_numbers<[1], [1], [0], [0], [0, 0, 1, 0], [], []>, precision = #tpu.contract_precision<fp32>, transpose_lhs_hint = false} : vector<1x64xf32>, vector<64x64xf32>, vector<1x64xf32> -> vector<1x64xf32>
    %convert_element_type3A_32 = arith.fptosi %dot_general3A_31 : vector<1x64xf32> to vector<1x64xi32>
    %swap3A = arith.constant 0 : index
    %swap3A_33 = arith.constant 0 : index
    %swap3A_34 = vector.load %arg5[%swap3A, %swap3A_33] : memref<1x64xi32, #tpu.memory_space<vmem>>, vector<1x64xi32>
    tpu.vector_store %arg5[%swap3A, %swap3A_33], %convert_element_type3A_32 {strides = array<i32>} : memref<1x64xi32, #tpu.memory_space<vmem>>, vector<1x64xi32>,
    return
  }
  func.func @transform_0(%arg0: i32) -> (i32, i32) {
    %c0_i32 = arith.constant 0 : i32
    %c0_i32_0 = arith.constant 0 : i32
    %c0_i32_1 = arith.constant 0 : i32
    return %c0_i32, %c0_i32_0 : i32, i32
  }
  func.func @transform_1(%arg0: i32) -> (i32, i32) {
    %c0_i32 = arith.constant 0 : i32
    %c0_i32_0 = arith.constant 0 : i32
    %c0_i32_1 = arith.constant 0 : i32
    return %c0_i32, %c0_i32_0 : i32, i32
  }
  func.func @transform_2(%arg0: i32) -> (i32, i32) {
    %c0_i32 = arith.constant 0 : i32
    %c0_i32_0 = arith.constant 0 : i32
    %c0_i32_1 = arith.constant 0 : i32
    return %c0_i32, %c0_i32_0 : i32, i32
  }
  func.func @transform_3(%arg0: i32) -> (i32, i32) {
    %c0_i32 = arith.constant 0 : i32
    %c0_i32_0 = arith.constant 0 : i32
    %c0_i32_1 = arith.constant 0 : i32
    return %c0_i32, %c0_i32_0 : i32, i32
  }
  func.func @transform_4(%arg0: i32) -> (i32, i32) {
    %c0_i32 = arith.constant 0 : i32
    %c0_i32_0 = arith.constant 0 : i32
    %c0_i32_1 = arith.constant 0 : i32
    return %c0_i32, %c0_i32_0 : i32, i32
  }
}

</mosaic_0001>

<sc_bundles>
// kernel: kernel.4.cloned.1.call-start
scs
__scs_entry_jumppad:
0x0: {  	(pc) =	sbr.rel $0x88, $3  }
0x1: {  	(tag) =	ssettag $0x0;
	lr =	simm.s32 $0x1  }
0x2: {  	[smem:$0x3F9D] =	sst lr;
	_ =	strace $0xD0000000  }
0x3: {  	_ = 	snop  }
0x4: {  	_ = 	snop  }
0x5: {  	_ = 	snop  }
0x6: {  	_ = 	snop  }
0x7: {  	_ = 	snop  }
__scs_overlays_trampoline_lowered:
0x8: {  	[smem:$0x3FAC] =	sst s0  }
0x9: {  	[smem:$0x3FAD] =	sst s1  }
0xa: {  	[smem:$0x3FAE] =	sst s2  }
0xb: {  	[smem:$0x3FAF] =	sst s3  }
0xc: {  	[smem:$0x3FB0] =	sst s4  }
0xd: {  	[smem:$0x3FB1] =	sst s5  }
0xe: {  	[smem:$0x3FB2] =	sst s6  }
0xf: {  	[smem:$0x3FB3] =	sst s7  }
0x10: {  	[smem:$0x3FB4] =	sst s8  }
0x11: {  	[smem:$0x3FB5] =	sst s9;
	s0 =	simm.s32 @!p0 $0x0  }
0x12: {  	s1 =	sld [smem:$0x3F9B];
	s0 =	simm.s32 @p0 $0x1  }
0x13: {  	[smem:$0x3FB6] =	sst s0;
	s0 =	simm.s32 @!p1 $0x0  }
0x14: {  	s2 =	sld [smem:$0x3F9A];
	s0 =	simm.s32 @p1 $0x1  }
0x15: {  	[smem:$0x3FB7] =	sst s0;
	s0 =	simm.s32 @!p2 $0x0  }
0x16: {  	s3 =	sld [smem:$0x3FDB];
	s0 =	simm.s32 @p2 $0x1  }
0x17: {  	s4 =	simm.s32 $0x1BF5;
	[smem:$0x3FB9] =	sst s0  }
0x18: {  	s0 =	sld [smem:$0x3F9C];
	_ =	swait.ge [sflag:s4], $0x0  }
0x19: {  	s7 =	sld [smem:$0x3F9D]  }
0x1a: {  	s8 =	sadd.s32 $0xFFFFE003, lr  }
0x1b: {  	s9 =	sadd.s32 $0xFFFFFEF7, lr;
	s5 =	simm.s32 $0xFFFFFFFF;
	p2 =	slt.u32 s8, $0xFFFFF086  }
0x1c: {  	p1 =	slt.u32 s9, $0xF7A;
	s5 =	simm.s32 @!p2 $0x0  }
0x1d: {  	s5 =	simm.s32 @p1 $0x1;
	p0 =	seq.s32 s7, s2  }
0x1e: {  	s7 =	smul.u32 @!p0 $0xF7A, s2;
	p2 =	seq.s32 @!p0 s5, $0x0  }
0x1f: {  	s9 =	smul.u32 $0xF7A, s1;
	s8 =	simm.s32 @!p0 $0x1BF5;
	p2 =	por !p2, p0  }
0x20: {  	[sflag:s8] =	ssyncset.s32 @!p0 $0xFFFFF086;
	s6 =	sadd.s32 @!p0 s3, s7;
	s7 =	simm.s32 @!p0 $0x108  }
0x21: {  	s3 =	sadd.s32 s3, s9;
	s6 =	sadd.s32 @!p0 $0x88, s6;
	s7 =	simm.s32 @p2 $0x1082  }
0x22: {  	[simem:s7], [sflag:s8] =	dma.local @!p0 [hbm:s6], $0xF7A  }
0x23: {  	s9 =	sor.u32 $0xD0000000, s2;
	s6 =	simm.s32 $0x108;
	_ =	swait.ge @!p0 [sflag:s8], $0x0  }
0x24: {  	s3 =	sadd.s32 $0x88, s3;
	s6 =	simm.s32 @!p1 $0x1082;
	[sflag:s4] =	ssyncset.s32 $0xFFFFF086  }
0x25: {  	[simem:s6], [sflag:s4] =	dma.local [hbm:s3], $0xF7A  }
0x26: {  	[smem:$0x3F9D] =	sst s1;
	(tag) =	ssettag s2;
	_ =	strace s9  }
0x27: {  	s1 =	sld [smem:$0x3FAD]  }
0x28: {  	s2 =	sld [smem:$0x3FAE]  }
0x29: {  	s4 =	sld [smem:$0x3FB0]  }
0x2a: {  	p0 =	seq.s32 s5, $0x0;
	s5 =	sld [smem:$0x3FB1]  }
0x2b: {  	s6 =	sld [smem:$0x3FB2]  }
0x2c: {  	s7 =	sld [smem:$0x3FB3]  }
0x2d: {  	s3 =	simm.s32 $0x108;
	s8 =	sld [smem:$0x3FB4]  }
0x2e: {  	s3 =	simm.s32 @!p0 $0x1082;
	s9 =	sld [smem:$0x3FB5]  }
0x2f: {  	lr =	sadd.s32 s0, s3;
	s0 =	sld [smem:$0x3FAC]  }
0x30: {  	s3 =	sld [smem:$0x3FAF]  }
0x31: {  	[smem:$0x3FB8] =	sst s10  }
0x32: {  	s10 =	sld [smem:$0x3FB6];
	_ =	sdelay $0x3  }
0x33: {  	p0 =	seq.s32 s10, $0x1;
	s10 =	sld [smem:$0x3FB8];
	_ =	sdelay $0x3  }
0x34: {  	[smem:$0x3FB8] =	sst s10  }
0x35: {  	s10 =	sld [smem:$0x3FB7];
	_ =	sdelay $0x3  }
0x36: {  	p1 =	seq.s32 s10, $0x1;
	s10 =	sld [smem:$0x3FB8];
	_ =	sdelay $0x3  }
0x37: {  	[smem:$0x3FB8] =	sst s10  }
0x38: {  	s10 =	sld [smem:$0x3FB9]  }
0x39: {  	_ = 	snop;
	(pc) =	sbr.ind lr, $3  }
0x3a: {  	_ = 	snop  }
0x3b: {  	_ = 	snop  }
0x3c: {  	p2 =	seq.s32 s10, $0x1;
	s10 =	sld [smem:$0x3FB8]  }
0x3d: {  	_ =	shalt  }
0x3e: {  	_ =	shalt  }
0x3f: {  	_ =	shalt  }
0x40: {  	_ =	shalt  }
0x41: {  	_ =	shalt  }
0x42: {  	_ =	shalt  }
0x43: {  	_ =	shalt  }
0x44: {  	_ =	shalt  }
0x45: {  	_ =	shalt  }
0x46: {  	_ =	shalt  }
0x47: {  	_ =	shalt  }
0x48: {  	_ =	shalt  }
0x49: {  	_ =	shalt  }
0x4a: {  	_ =	shalt  }
0x4b: {  	_ =	shalt  }
0x4c: {  	_ =	shalt  }
0x4d: {  	_ =	shalt  }
0x4e: {  	_ =	shalt  }
0x4f: {  	_ =	shalt  }
0x50: {  	_ =	shalt  }
0x51: {  	_ =	shalt  }
0x52: {  	_ =	shalt  }
0x53: {  	_ =	shalt  }
0x54: {  	_ =	shalt  }
0x55: {  	_ =	shalt  }
0x56: {  	_ =	shalt  }
0x57: {  	_ =	shalt  }
0x58: {  	_ =	shalt  }
0x59: {  	_ =	shalt  }
0x5a: {  	_ =	shalt  }
0x5b: {  	_ =	shalt  }
0x5c: {  	_ =	shalt  }
0x5d: {  	_ =	shalt  }
0x5e: {  	_ =	shalt  }
0x5f: {  	_ =	shalt  }
0x60: {  	_ =	shalt  }
0x61: {  	_ =	shalt  }
0x62: {  	_ =	shalt  }
0x63: {  	_ =	shalt  }
0x64: {  	_ =	shalt  }
0x65: {  	_ =	shalt  }
0x66: {  	_ =	shalt  }
0x67: {  	_ =	shalt  }
0x68: {  	_ =	shalt  }
0x69: {  	_ =	shalt  }
0x6a: {  	_ =	shalt  }
0x6b: {  	_ =	shalt  }
0x6c: {  	_ =	shalt  }
0x6d: {  	_ =	shalt  }
0x6e: {  	_ =	shalt  }
0x6f: {  	_ =	shalt  }
0x70: {  	_ =	shalt  }
0x71: {  	_ =	shalt  }
0x72: {  	_ =	shalt  }
0x73: {  	_ =	shalt  }
0x74: {  	_ =	shalt  }
0x75: {  	_ =	shalt  }
0x76: {  	_ =	shalt  }
0x77: {  	_ =	shalt  }
0x78: {  	_ =	shalt  }
0x79: {  	_ =	shalt  }
0x7a: {  	_ =	shalt  }
0x7b: {  	_ =	shalt  }
0x7c: {  	_ =	shalt  }
0x7d: {  	_ =	shalt  }
0x7e: {  	_ =	shalt  }
0x7f: {  	_ =	shalt  }
0x80: {  	_ =	shalt  }
0x81: {  	_ =	shalt  }
0x82: {  	_ =	shalt  }
0x83: {  	_ =	shalt  }
0x84: {  	_ =	shalt  }
0x85: {  	_ =	shalt  }
0x86: {  	_ =	shalt  }
0x87: {  	_ =	shalt  }
.Lfunc_end0:
.L_simem_size_0:
called_computation_lowered:
.L_overlay_start_0:
0x88: {  	s0 =	sld [smem:$0x3FD9]  }
0x89: {  	s1 =	sld [smem:$0x3FFE];
	_ =	sdelay $0x3  }
0x8a: {  	s0 =	sadd.s32 s1, s0  }
0x8b: {  	s2 =	simm.s32 $0x0;
	[smem:$0x3FC4] =	sst s0  }
0x8c: {  	[smem:$0xF] =	sst s2  }
0x8d: {  	s0 =	sld [smem:$0x3FC9]  }
0x8e: {  	s1 =	sld [smem:$0x3FD0];
	(tm) =	ssettm $0x1  }
0x8f: {  	s25 =	sld [smem:$0x3FFB];
	_ =	sdelay $0x3  }
0x90: {  	_ =	strace s25  }
0x91: {  	s2 =	sld [smem:$0x3FFC];
	_ =	sdelay $0x3  }
0x92: {  	_ =	strace s2  }
0x93: {  	s2 =	sld [smem:$0x3FFD];
	_ =	sdelay $0x3  }
0x94: {  	_ =	strace s2  }
0x95: {  	s26 =	simm.s32 $0x1B8B;
	_ =	strace $0x8FFFFFFF  }
0x96: {  	_ =	swait.ge [sflag:s26], $0x1  }
0x97: {  	s3 =	sld [smem:$0x3FFE]  }
0x98: {  	[sflag:s26] =	ssyncset.done $0x0  }
0x99: {  	s28 =	simm.s32 $0x1B8E;
	[sflag:s26] =	ssyncadd.s32 $0xFFFFFFFF  }
0x9a: {  	s30 =	simm.s32 $0xA;
	[smem:$0x3FD2] =	sst s28  }
0x9b: {  	s4 =	simm.s32 $0x10;
	_ =	strace $0x80000046;
	s29 =	sadd.s32 $0xE00, s3  }
0x9c: {  	[smem:s4], [sflag:s30] =	dma.local [hbm:s29], $0x10  }
0x9d: {  	_ =	swait.ge [sflag:s30], $0x10  }
0x9e: {  	[sflag:s30] =	ssyncset.done $0x0  }
0x9f: {  	[sflag:s30] =	ssyncadd.s32 $0xFFFFFFF0  }
0xa0: {  	s31 =	sld [smem:$0x10];
	_ =	sdelay $0x3  }
0xa1: {  	s2 =	sshll.u32 s31, $0x4  }
0xa2: {  	s2 =	sand.u32 $0x1FFFFFF0, s2  }
0xa3: {  	s3 =	simm.s32 $0x9;
	s2 =	sadd.s32 s0, s2  }
0xa4: {  	[hbm:s1], [sflag:s3] =	dma.local [hbm:s2], $0x10  }
0xa5: {  	s4 =	simm.s32 $0x8;
	s2 =	srdreg.scid;
	s5 =	sld [smem:$0x11]  }
.LBB1_1:
0xa6: {  	p0 =	sne.s32 s4, $0xFC;
	_ =	sdelay $0x2  }
0xa7: {  	s5 =	sshll.u32 s5, $0x4  }
.Ltmp0:
0xa8: {  	s5 =	sand.u32 $0x1FFFFFF0, s5;
	(pc) =	sbr.rel @p0 .LBB1_1-.Ltmp0, $3  }
0xa9: {  	s6 =	sshra.s32 s4, $0x2;
	s1 =	sadd.s32 $0x10, s1;
	s5 =	sadd.s32 s0, s5  }
0xaa: {  	[hbm:s1], [sflag:s3] =	dma.local [hbm:s5], $0x10  }
0xab: {  	s4 =	sadd.s32 $0x4, s4;
	s5 =	sld [smem:s6+$0x10]  }
0xac: {  	_ =	sdelay $0x2  }
0xad: {  	s4 =	sshll.u32 s5, $0x4  }
0xae: {  	s4 =	sand.u32 $0x1FFFFFF0, s4  }
0xaf: {  	s1 =	sadd.s32 $0x10, s1;
	s26 =	simm.s32 $0x9;
	s0 =	sadd.s32 s0, s4  }
0xb0: {  	[hbm:s1], [sflag:s3] =	dma.local [hbm:s0], $0x10  }
0xb1: {  	_ =	swait.ge [sflag:s26], $0x400  }
0xb2: {  	[sflag:s26] =	ssyncset.done $0x0  }
0xb3: {  	[sflag:s26] =	ssyncadd.s32 $0xFFFFFC00  }
0xb4: {  	_ =	strace $0x90000046  }
0xb5: {  	_ =	sfence  }
0xb6: {  	s28 =	sld [smem:$0x0];
	_ =	sdelay $0x2  }
0xb7: {  	s29 =	sshll.u32 s2, $0xD;
	s30 =	sshrl.u32 s2, $0x2  }
0xb8: {  	s31 =	sand.u32 $0x1, s2;
	s1 =	sand.u32 $0x4000, s29;
	s0 =	sadd.s32 s30, s28  }
0xb9: {  	s1 =	sor.u32 s1, s31;
	s0 =	sshll.u32 s0, $0x11  }
0xba: {  	s0 =	sor.u32 s0, s1  }
0xbb: {  	s0 =	sadd.s32 $0x8F2B, s0;
	(pc) =	sbr.abs _section_cstart, $3  }
0xbc: {  	[sflag:s0] =	ssyncadd.remote.s32 $0x1  }
0xbd: {  	_ =	strace $0x9FFFFFFF  }
0xbe: {  	(tm) =	ssettm $0x7FFFFFFF  }
0xbf: {  	_ =	shalt  }

</sc_bundles>
